<compile_context>
chip_gen: v7x
topology: tpu7x:2x2x1
jax: 0.10.2.dev20260603
libtpu: 0.0.44.dev20260713+nightly
codegen_flags: <defaults>
</compile_context>

<pallas_src>
import functools

import jax
import jax.numpy as jnp
import numpy as np
from jax.experimental import pallas as pl
from jax.experimental.pallas import tpu as pltpu

_CODE_VALUES = np.array([-3.0, -1.0, 1.0, 3.0], dtype=np.float32)


def _codebook_np():
    rs = np.random.RandomState(0)
    idx = rs.randint(0, 4, size=(512, 8))
    return _CODE_VALUES[idx]


def _build_consts():
    import ml_dtypes
    cb = _codebook_np()
    cnorm = (cb * cb).sum(axis=1)
    w1t = np.zeros((2048, 32), dtype=np.float32)
    w2t = np.zeros((32, 2048), dtype=np.float32)
    for g in range(4):
        w1t[512 * g : 512 * (g + 1), 8 * g : 8 * g + 8] = cb
        w2t[8 * g : 8 * g + 8, 512 * g : 512 * (g + 1)] = cb.T
    cn = np.tile(cnorm, 4)[:, None].astype(np.float32)
    return (w1t.astype(ml_dtypes.bfloat16), cn, w2t.astype(ml_dtypes.bfloat16))


_W1T, _CN, _W2T = _build_consts()

_TB = 2048
_NB = (4096 * 4096) // 32
_BIG = np.int32(1 << 30)


def _quant_body(xt_ref, w1t_ref, cn_ref, w2t_ref, o_ref):
    xt = xt_ref[...]
    d = jnp.maximum(jnp.max(jnp.abs(xt), axis=0, keepdims=True) / 3.0, 1e-8)
    sub = (xt / d).astype(jnp.bfloat16)
    dots = jax.lax.dot_general(
        w1t_ref[...], sub, (((1,), (0,)), ((), ())),
        preferred_element_type=jnp.float32,
    )
    dist = cn_ref[...] - 2.0 * dots
    iota = jax.lax.broadcasted_iota(jnp.int32, (512, dist.shape[1]), 0)
    ohs = []
    for g in range(4):
        sg = dist[512 * g : 512 * (g + 1), :]
        m = jnp.min(sg, axis=0, keepdims=True)
        cand = jnp.where(sg == m, iota, _BIG)
        idx = jnp.min(cand, axis=0, keepdims=True)
        ohs.append((iota == idx).astype(jnp.bfloat16))
    oh = jnp.concatenate(ohs, axis=0)
    q = jax.lax.dot_general(
        w2t_ref[...], oh, (((1,), (0,)), ((), ())),
        preferred_element_type=jnp.float32,
    )
    deq = q * d
    o_ref[...] = xt + (deq - xt)


@jax.jit
def kernel(w):
    xt = w.reshape(_NB, 32).T
    grid = _NB // _TB
    out = pl.pallas_call(
        _quant_body,
        grid=(grid,),
        in_specs=[
            pl.BlockSpec((32, _TB), lambda i: (0, i)),
            pl.BlockSpec((2048, 32), lambda i: (0, 0)),
            pl.BlockSpec((2048, 1), lambda i: (0, 0)),
            pl.BlockSpec((32, 2048), lambda i: (0, 0)),
        ],
        out_specs=pl.BlockSpec((32, _TB), lambda i: (0, i)),
        out_shape=jax.ShapeDtypeStruct((32, _NB), jnp.float32),
    )(xt, jnp.asarray(_W1T), jnp.asarray(_CN), jnp.asarray(_W2T))
    return out.T.reshape(w.shape)

# --- scband reference (transcript-rebuilt; emitter-appended) ---
"""Pipeline reference for scband-iq2-xsquant-weight-12945031430379 (READ-ONLY COPY).

The authoritative reference and input builder live on the scoring server;
editing this copy changes nothing except your own understanding.
"""

import jax, jax.numpy as jnp
import numpy as np

_CODE_VALUES = np.array([-3.0, -1.0, 1.0, 3.0], dtype=np.float32)


def _make_codebook():
    # Deterministic 512-entry IQ2_XS-style codebook: 8-dim vectors with
    # odd integer magnitudes {1,3} and signs, like the iq2xs grid in llama.cpp.
    rs = np.random.RandomState(0)
    idx = rs.randint(0, 4, size=(512, 8))
    return jnp.asarray(_CODE_VALUES[idx])


def iq2_xs_quant_ste(w, axis=-1):
    # IQ2_XS quantizes along the last axis: blocks of 32 share a scale,
    # sub-groups of 8 are vector-quantized against a 512-entry codebook.
    assert axis == -1
    codebook = _make_codebook()  # [512, 8]
    orig_shape = w.shape
    flat = w.reshape(-1, 32)  # [Nb, 32] super-blocks
    d = jnp.max(jnp.abs(flat), axis=-1, keepdims=True) / 3.0  # per-block scale
    d = jnp.maximum(d, 1e-8)
    sub = (flat / d).reshape(-1, 8)  # [4*Nb, 8] sub-groups of 8
    # nearest codeword: argmin ||sub - c||^2 = argmin (||c||^2 - 2 sub.c)
    cnorm = jnp.sum(codebook * codebook, axis=-1)  # [512]
    dots = sub @ codebook.T  # [4*Nb, 512]
    idx = jnp.argmin(cnorm[None, :] - 2.0 * dots, axis=-1)  # [4*Nb]
    q = jnp.take(codebook, idx, axis=0)  # [4*Nb, 8] gather from codebook
    d_rep = jnp.repeat(d, 4, axis=0)  # scale per sub-group
    deq = (q * d_rep).reshape(orig_shape)
    # straight-through estimator: forward = dequantized, backward = identity
    return w + jax.lax.stop_gradient(deq - w)


def setup_inputs(seed: int = 0) -> dict:
    key = jax.random.key(seed)
    w = jax.random.normal(key, (4096, 4096), dtype=jnp.float32)
    return {"w": w}


def reference(w):
    return iq2_xs_quant_ste(w, axis=-1)

if __name__ == "__main__":
    import jax
    _d = setup_inputs()
    print(jax.jit(kernel)(*tuple(_d.values())))

</pallas_src>

<mosaic_0001>
module attributes {stable_mosaic.version = 14 : i64} {
  func.func @_quant_body(%arg0: i32, %arg1: memref<32x2048xf32, #tpu.memory_space<vmem>>, %arg2: memref<2048x32xbf16, #tpu.memory_space<vmem>>, %arg3: memref<2048x1xf32, #tpu.memory_space<vmem>>, %arg4: memref<32x2048xbf16, #tpu.memory_space<vmem>>, %arg5: memref<32x2048xf32, #tpu.memory_space<vmem>>) attributes {dimension_semantics = [#tpu.dimension_semantics<arbitrary>], iteration_bounds = array<i64: 256>, scalar_prefetch = 0 : i64, scratch_operands = 0 : i64, tpu.core_type = #tpu.core_type<tc>, window_params = [{transform_indices = @transform_0, window_bounds = array<i64: 32, 2048>}, {pipeline_mode = #tpu.pipeline_mode<synchronous>, transform_indices = @transform_1, window_bounds = array<i64: 2048, 32>}, {pipeline_mode = #tpu.pipeline_mode<synchronous>, transform_indices = @transform_2, window_bounds = array<i64: 2048, 1>}, {pipeline_mode = #tpu.pipeline_mode<synchronous>, transform_indices = @transform_3, window_bounds = array<i64: 32, 2048>}, {transform_indices = @transform_4, window_bounds = array<i64: 32, 2048>}]} {
    %get3A = arith.constant 0 : index
    %get3A_0 = arith.constant 0 : index
    %get3A_1 = vector.load %arg1[%get3A, %get3A_0] : memref<32x2048xf32, #tpu.memory_space<vmem>>, vector<32x2048xf32>
    %abs3A = math.absf %get3A_1 : vector<32x2048xf32>
    %reduce_max3A = arith.constant dense<0xFF800000> : vector<2048xf32>
    %reduce_max3A_2 = vector.multi_reduction <maximumf>, %abs3A, %reduce_max3A [0] : vector<32x2048xf32> to vector<2048xf32>
    %broadcast_in_dim3A = vector.shape_cast %reduce_max3A_2 : vector<2048xf32> to vector<1x2048xf32>
    %div3A = arith.constant 3.000000e+00 : f32
    %div3A_3 = vector.broadcast %div3A : f32 to vector<1x2048xf32>
    %div3A_4 = arith.divf %broadcast_in_dim3A, %div3A_3 : vector<1x2048xf32>
    %max3A = arith.constant 9.99999993E-9 : f32
    %max3A_5 = vector.broadcast %max3A : f32 to vector<1x2048xf32>
    %max3A_6 = arith.maximumf %div3A_4, %max3A_5 : vector<1x2048xf32>
    %div3A_7 = vector.broadcast %max3A_6 : vector<1x2048xf32> to vector<32x2048xf32>
    %div3A_8 = arith.divf %get3A_1, %div3A_7 : vector<32x2048xf32>
    %convert_element_type3A = arith.truncf %div3A_8 : vector<32x2048xf32> to vector<32x2048xbf16>
    %get3A_9 = arith.constant 0 : index
    %get3A_10 = arith.constant 0 : index
    %get3A_11 = vector.load %arg2[%get3A_9, %get3A_10] : memref<2048x32xbf16, #tpu.memory_space<vmem>>, vector<2048x32xbf16>
    %dot_general3A = arith.constant dense<0.000000e+00> : vector<2048x2048xf32>
    %dot_general3A_12 = tpu.matmul %get3A_11, %convert_element_type3A, %dot_general3A {dimension_numbers = #tpu.dot_dimension_numbers<[1], [0], [0], [1], [0, 0, 1, 1], [], []>, transpose_lhs_hint = false} : vector<2048x32xbf16>, vector<32x2048xbf16>, vector<2048x2048xf32> -> vector<2048x2048xf32>
    %get3A_13 = arith.constant 0 : index
    %get3A_14 = arith.constant 0 : index
    %get3A_15 = vector.load %arg3[%get3A_13, %get3A_14] : memref<2048x1xf32, #tpu.memory_space<vmem>>, vector<2048x1xf32>
    %mul3A = arith.constant 2.000000e+00 : f32
    %mul3A_16 = vector.broadcast %mul3A : f32 to vector<2048x2048xf32>
    %mul3A_17 = arith.mulf %mul3A_16, %dot_general3A_12 : vector<2048x2048xf32>
    %sub3A = vector.broadcast %get3A_15 : vector<2048x1xf32> to vector<2048x2048xf32>
    %sub3A_18 = arith.subf %sub3A, %mul3A_17 : vector<2048x2048xf32>
    %iota3A = tpu.iota {dimensions = array<i32: 0>} : vector<512x2048xi32>
    %slice3A = vector.extract_strided_slice %sub3A_18 {offsets = [0, 0], sizes = [512, 2048], strides = [1, 1]} : vector<2048x2048xf32> to vector<512x2048xf32>
    %reduce_min3A = arith.constant dense<0x7F800000> : vector<2048xf32>
    %reduce_min3A_19 = vector.multi_reduction <minimumf>, %slice3A, %reduce_min3A [0] : vector<512x2048xf32> to vector<2048xf32>
    %broadcast_in_dim3A_20 = vector.shape_cast %reduce_min3A_19 : vector<2048xf32> to vector<1x2048xf32>
    %eq3A = vector.broadcast %broadcast_in_dim3A_20 : vector<1x2048xf32> to vector<512x2048xf32>
    %eq3A_21 = arith.cmpf oeq, %slice3A, %eq3A : vector<512x2048xf32>
    %jit3A = arith.constant 1073741824 : i32
    %broadcast_in_dim3A_22 = vector.broadcast %jit3A : i32 to vector<512x2048xi32>
    %select_n3A = arith.select %eq3A_21, %iota3A, %broadcast_in_dim3A_22 : vector<512x2048xi1>, vector<512x2048xi32>
    %reduce_min3A_23 = arith.constant dense<2147483647> : vector<2048xi32>
    %reduce_min3A_24 = vector.multi_reduction <minsi>, %select_n3A, %reduce_min3A_23 [0] : vector<512x2048xi32> to vector<2048xi32>
    %broadcast_in_dim3A_25 = vector.shape_cast %reduce_min3A_24 : vector<2048xi32> to vector<1x2048xi32>
    %eq3A_26 = vector.broadcast %broadcast_in_dim3A_25 : vector<1x2048xi32> to vector<512x2048xi32>
    %eq3A_27 = arith.cmpi eq, %iota3A, %eq3A_26 : vector<512x2048xi32>
    %convert_element_type3A_28 = arith.extui %eq3A_27 : vector<512x2048xi1> to vector<512x2048xi32>
    %convert_element_type3A_29 = arith.sitofp %convert_element_type3A_28 : vector<512x2048xi32> to vector<512x2048xf32>
    %convert_element_type3A_30 = arith.truncf %convert_element_type3A_29 : vector<512x2048xf32> to vector<512x2048xbf16>
    %slice3A_31 = vector.extract_strided_slice %sub3A_18 {offsets = [512, 0], sizes = [512, 2048], strides = [1, 1]} : vector<2048x2048xf32> to vector<512x2048xf32>
    %reduce_min3A_32 = arith.constant dense<0x7F800000> : vector<2048xf32>
    %reduce_min3A_33 = vector.multi_reduction <minimumf>, %slice3A_31, %reduce_min3A_32 [0] : vector<512x2048xf32> to vector<2048xf32>
    %broadcast_in_dim3A_34 = vector.shape_cast %reduce_min3A_33 : vector<2048xf32> to vector<1x2048xf32>
    %eq3A_35 = vector.broadcast %broadcast_in_dim3A_34 : vector<1x2048xf32> to vector<512x2048xf32>
    %eq3A_36 = arith.cmpf oeq, %slice3A_31, %eq3A_35 : vector<512x2048xf32>
    %jit3A_37 = arith.constant 1073741824 : i32
    %broadcast_in_dim3A_38 = vector.broadcast %jit3A_37 : i32 to vector<512x2048xi32>
    %select_n3A_39 = arith.select %eq3A_36, %iota3A, %broadcast_in_dim3A_38 : vector<512x2048xi1>, vector<512x2048xi32>
    %reduce_min3A_40 = arith.constant dense<2147483647> : vector<2048xi32>
    %reduce_min3A_41 = vector.multi_reduction <minsi>, %select_n3A_39, %reduce_min3A_40 [0] : vector<512x2048xi32> to vector<2048xi32>
    %broadcast_in_dim3A_42 = vector.shape_cast %reduce_min3A_41 : vector<2048xi32> to vector<1x2048xi32>
    %eq3A_43 = vector.broadcast %broadcast_in_dim3A_42 : vector<1x2048xi32> to vector<512x2048xi32>
    %eq3A_44 = arith.cmpi eq, %iota3A, %eq3A_43 : vector<512x2048xi32>
    %convert_element_type3A_45 = arith.extui %eq3A_44 : vector<512x2048xi1> to vector<512x2048xi32>
    %convert_element_type3A_46 = arith.sitofp %convert_element_type3A_45 : vector<512x2048xi32> to vector<512x2048xf32>
    %convert_element_type3A_47 = arith.truncf %convert_element_type3A_46 : vector<512x2048xf32> to vector<512x2048xbf16>
    %slice3A_48 = vector.extract_strided_slice %sub3A_18 {offsets = [1024, 0], sizes = [512, 2048], strides = [1, 1]} : vector<2048x2048xf32> to vector<512x2048xf32>
    %reduce_min3A_49 = arith.constant dense<0x7F800000> : vector<2048xf32>
    %reduce_min3A_50 = vector.multi_reduction <minimumf>, %slice3A_48, %reduce_min3A_49 [0] : vector<512x2048xf32> to vector<2048xf32>
    %broadcast_in_dim3A_51 = vector.shape_cast %reduce_min3A_50 : vector<2048xf32> to vector<1x2048xf32>
    %eq3A_52 = vector.broadcast %broadcast_in_dim3A_51 : vector<1x2048xf32> to vector<512x2048xf32>
    %eq3A_53 = arith.cmpf oeq, %slice3A_48, %eq3A_52 : vector<512x2048xf32>
    %jit3A_54 = arith.constant 1073741824 : i32
    %broadcast_in_dim3A_55 = vector.broadcast %jit3A_54 : i32 to vector<512x2048xi32>
    %select_n3A_56 = arith.select %eq3A_53, %iota3A, %broadcast_in_dim3A_55 : vector<512x2048xi1>, vector<512x2048xi32>
    %reduce_min3A_57 = arith.constant dense<2147483647> : vector<2048xi32>
    %reduce_min3A_58 = vector.multi_reduction <minsi>, %select_n3A_56, %reduce_min3A_57 [0] : vector<512x2048xi32> to vector<2048xi32>
    %broadcast_in_dim3A_59 = vector.shape_cast %reduce_min3A_58 : vector<2048xi32> to vector<1x2048xi32>
    %eq3A_60 = vector.broadcast %broadcast_in_dim3A_59 : vector<1x2048xi32> to vector<512x2048xi32>
    %eq3A_61 = arith.cmpi eq, %iota3A, %eq3A_60 : vector<512x2048xi32>
    %convert_element_type3A_62 = arith.extui %eq3A_61 : vector<512x2048xi1> to vector<512x2048xi32>
    %convert_element_type3A_63 = arith.sitofp %convert_element_type3A_62 : vector<512x2048xi32> to vector<512x2048xf32>
    %convert_element_type3A_64 = arith.truncf %convert_element_type3A_63 : vector<512x2048xf32> to vector<512x2048xbf16>
    %slice3A_65 = vector.extract_strided_slice %sub3A_18 {offsets = [1536, 0], sizes = [512, 2048], strides = [1, 1]} : vector<2048x2048xf32> to vector<512x2048xf32>
    %reduce_min3A_66 = arith.constant dense<0x7F800000> : vector<2048xf32>
    %reduce_min3A_67 = vector.multi_reduction <minimumf>, %slice3A_65, %reduce_min3A_66 [0] : vector<512x2048xf32> to vector<2048xf32>
    %broadcast_in_dim3A_68 = vector.shape_cast %reduce_min3A_67 : vector<2048xf32> to vector<1x2048xf32>
    %eq3A_69 = vector.broadcast %broadcast_in_dim3A_68 : vector<1x2048xf32> to vector<512x2048xf32>
    %eq3A_70 = arith.cmpf oeq, %slice3A_65, %eq3A_69 : vector<512x2048xf32>
    %jit3A_71 = arith.constant 1073741824 : i32
    %broadcast_in_dim3A_72 = vector.broadcast %jit3A_71 : i32 to vector<512x2048xi32>
    %select_n3A_73 = arith.select %eq3A_70, %iota3A, %broadcast_in_dim3A_72 : vector<512x2048xi1>, vector<512x2048xi32>
    %reduce_min3A_74 = arith.constant dense<2147483647> : vector<2048xi32>
    %reduce_min3A_75 = vector.multi_reduction <minsi>, %select_n3A_73, %reduce_min3A_74 [0] : vector<512x2048xi32> to vector<2048xi32>
    %broadcast_in_dim3A_76 = vector.shape_cast %reduce_min3A_75 : vector<2048xi32> to vector<1x2048xi32>
    %eq3A_77 = vector.broadcast %broadcast_in_dim3A_76 : vector<1x2048xi32> to vector<512x2048xi32>
    %eq3A_78 = arith.cmpi eq, %iota3A, %eq3A_77 : vector<512x2048xi32>
    %convert_element_type3A_79 = arith.extui %eq3A_78 : vector<512x2048xi1> to vector<512x2048xi32>
    %convert_element_type3A_80 = arith.sitofp %convert_element_type3A_79 : vector<512x2048xi32> to vector<512x2048xf32>
    %convert_element_type3A_81 = arith.truncf %convert_element_type3A_80 : vector<512x2048xf32> to vector<512x2048xbf16>
    %concatenate3A = tpu.concatenate %convert_element_type3A_30, %convert_element_type3A_47, %convert_element_type3A_64, %convert_element_type3A_81 in 0 : vector<512x2048xbf16>, vector<512x2048xbf16>, vector<512x2048xbf16>, vector<512x2048xbf16> -> vector<2048x2048xbf16>
    %get3A_82 = arith.constant 0 : index
    %get3A_83 = arith.constant 0 : index
    %get3A_84 = vector.load %arg4[%get3A_82, %get3A_83] : memref<32x2048xbf16, #tpu.memory_space<vmem>>, vector<32x2048xbf16>
    %dot_general3A_85 = arith.constant dense<0.000000e+00> : vector<32x2048xf32>
    %dot_general3A_86 = tpu.matmul %get3A_84, %concatenate3A, %dot_general3A_85 {dimension_numbers = #tpu.dot_dimension_numbers<[1], [0], [0], [1], [0, 0, 1, 1], [], []>, transpose_lhs_hint = false} : vector<32x2048xbf16>, vector<2048x2048xbf16>, vector<32x2048xf32> -> vector<32x2048xf32>
    %mul3A_87 = vector.broadcast %max3A_6 : vector<1x2048xf32> to vector<32x2048xf32>
    %mul3A_88 = arith.mulf %dot_general3A_86, %mul3A_87 : vector<32x2048xf32>
    %sub3A_89 = arith.subf %mul3A_88, %get3A_1 : vector<32x2048xf32>
    %add3A = arith.addf %get3A_1, %sub3A_89 : vector<32x2048xf32>
    %swap3A = arith.constant 0 : index
    %swap3A_90 = arith.constant 0 : index
    %swap3A_91 = vector.load %arg5[%swap3A, %swap3A_90] : memref<32x2048xf32, #tpu.memory_space<vmem>>, vector<32x2048xf32>
    tpu.vector_store %arg5[%swap3A, %swap3A_90], %add3A {strides = array<i32>} : memref<32x2048xf32, #tpu.memory_space<vmem>>, vector<32x2048xf32>,
    return
  }
  func.func @transform_0(%arg0: i32) -> (i32, i32) {
    %c0_i32 = arith.constant 0 : i32
    %c0_i32_0 = arith.constant 0 : i32
    return %c0_i32, %arg0 : i32, i32
  }
  func.func @transform_1(%arg0: i32) -> (i32, i32) {
    %c0_i32 = arith.constant 0 : i32
    %c0_i32_0 = arith.constant 0 : i32
    %c0_i32_1 = arith.constant 0 : i32
    return %c0_i32, %c0_i32_0 : i32, i32
  }
  func.func @transform_2(%arg0: i32) -> (i32, i32) {
    %c0_i32 = arith.constant 0 : i32
    %c0_i32_0 = arith.constant 0 : i32
    %c0_i32_1 = arith.constant 0 : i32
    return %c0_i32, %c0_i32_0 : i32, i32
  }
  func.func @transform_3(%arg0: i32) -> (i32, i32) {
    %c0_i32 = arith.constant 0 : i32
    %c0_i32_0 = arith.constant 0 : i32
    %c0_i32_1 = arith.constant 0 : i32
    return %c0_i32, %c0_i32_0 : i32, i32
  }
  func.func @transform_4(%arg0: i32) -> (i32, i32) {
    %c0_i32 = arith.constant 0 : i32
    %c0_i32_0 = arith.constant 0 : i32
    return %c0_i32, %arg0 : i32, i32
  }
}

</mosaic_0001>

<sc_bundles>
// kernel: sparse-core-data-format-call.1.cloned.1.call-start
scs
called_computation.1_lowered:
.L_overlay_start_0:
0x0: {  	s1 =	sld [smem:$0x3FD9]  }
0x1: {  	s2 =	sld [smem:$0x3FFE];
	_ =	sdelay $0x1  }
0x2: {  	s3 =	srdreg.scid  }
0x3: {  	s0 =	sand.u32 $0x1, s3  }
0x4: {  	s17 =	sshll.u32 s0, $0xA;
	s1 =	sadd.s32 s2, s1  }
0x5: {  	s1 =	sadd.s32 s1, s17  }
0x6: {  	[smem:$0x3FC7] =	sst s1  }
0x7: {  	_ = 	snop  }
0x8: {  	(tm) =	ssettm $0x1  }
0x9: {  	s18 =	sld [smem:$0x3FFB];
	_ =	sdelay $0x3  }
0xa: {  	_ =	strace s18  }
0xb: {  	s1 =	sld [smem:$0x3FFC];
	_ =	sdelay $0x3  }
0xc: {  	_ =	strace s1  }
0xd: {  	s1 =	sld [smem:$0x3FFD];
	_ =	sdelay $0x3  }
0xe: {  	_ =	strace s1  }
0xf: {  	_ =	strace $0x8FFFFFFF  }
0x10: {  	s19 =	sld [smem:$0x3FDB];
	_ =	sdelay $0x1  }
0x11: {  	s20 =	simm.s32 $_scs_section_size  }
0x12: {  	s4 =	simm.s32 $_size__tile_overlayer_lowered;
	s5 =	simm.s32 $_tile_overlayer_lowered  }
0x13: {  	s23 =	simm.s32 $0x1BFF;
	s22 =	sshll.u32 s5, $0x1;
	s1 =	sadd.s32 s20, s19  }
0x14: {  	s6 =	simm.s32 $0x0;
	s21 =	sshll.u32 s4, $0x1;
	s4 =	sadd.s32 s22, s1  }
0x15: {  	[timem:s6], [sflag:s23] =	dma.local [hbm:s4], s21  }
0x16: {  	_ =	swait.ge [sflag:s23], s21  }
0x17: {  	s2 =	ssub.s32 $0x0, s21;
	[sflag:s23] =	ssyncset.done $0x0  }
0x18: {  	[sflag:s23] =	ssyncadd.s32 s2;
	_ =	sdelay $0x1  }
0x19: {  	s24 =	simm.s32 $0x1B8B  }
0x1a: {  	_ =	swait.ge [sflag:s24], $0x1  }
0x1b: {  	[sflag:s24] =	ssyncset.done $0x0  }
0x1c: {  	s26 =	simm.s32 $0x1B8E;
	s25 =	sld [smem:$0x3FFE];
	[sflag:s24] =	ssyncadd.s32 $0xFFFFFFFF  }
0x1d: {  	s27 =	simm.s32 $execute0_lowered;
	[smem:$0x3FD2] =	sst s26  }
0x1e: {  	s4 =	sshll.u32 s27, $0x1;
	_ =	strace $0x80000046;
	[dreg:$0x1] =	wrdreg $0xFFFFFFFF  }
0x1f: {  	s28 =	simm.s32 $_size_execute0_lowered;
	s1 =	sadd.s32 s1, s4;
	[dreg:$0x0] =	wrdreg $0x0  }
0x20: {  	s4 =	sshll.u32 s28, $0x1;
	[dreg:$0x2] =	wrdreg s1  }
0x21: {  	[dreg:$0x3] =	wrdreg s4  }
0x22: {  	[dreg:$0x4] =	wrdreg $0xC0  }
0x23: {  	_ =	task [dreg:s6], $0x5FFFF  }
0x24: {  	[dreg:$0x1] =	wrdreg $0xFFFFFFFF  }
0x25: {  	[dreg:$0x0] =	wrdreg $0x60  }
0x26: {  	[dreg:$0x2] =	wrdreg s25  }
0x27: {  	[dreg:$0x3] =	wrdreg $0x9  }
0x28: {  	_ =	task.clear_ibuf [dreg:s6], $0x4FFFF;
	_ =	strace $0x90000046  }
0x29: {  	s29 =	simm.s32 $0x9;
	_ =	strace $0x80000048  }
0x2a: {  	_ =	swait.ge [sflag:s29], $0x1  }
0x2b: {  	[sflag:s29] =	ssyncadd.s32 $0xFFFFFFFF  }
0x2c: {  	_ =	strace $0x90000048  }
0x2d: {  	_ =	sfence  }
0x2e: {  	s30 =	sld [smem:$0x0];
	_ =	sdelay $0x2  }
0x2f: {  	s31 =	sshll.u32 s3, $0xD;
	s3 =	sshrl.u32 s3, $0x2  }
0x30: {  	s2 =	sand.u32 $0x4000, s31;
	s1 =	sadd.s32 s3, s30  }
0x31: {  	s0 =	sor.u32 s2, s0;
	s1 =	sshll.u32 s1, $0x11  }
0x32: {  	s0 =	sor.u32 s1, s0  }
0x33: {  	s0 =	sadd.s32 $0x8F2B, s0  }
0x34: {  	[sflag:s0] =	ssyncadd.remote.s32 $0x1  }
0x35: {  	_ =	sfence.sel $0xFFFF  }
0x36: {  	[dreg:$0x0] =	wrdreg $0xFFFFFFFF;
	(pc) =	sbr.abs _section_cstart, $3  }
0x37: {  	[dreg:$0x1] =	wrdreg $0xFFFFFFFF  }
0x38: {  	_ =	task.clear_ibuf [dreg:s6], $0x2FFFF;
	_ =	strace $0x9FFFFFFF  }
0x39: {  	(tm) =	ssettm $0x7FFFFFFF  }
tec
execute0_lowered:
.L_overlay_start_1:
0x0: {  	(tag) =	ssettag $0x1  }
0x1: {  	s0 =	srdreg.scid  }
0x2: {  	s1 =	sshll.u32 s0, $0x4  }
0x3: {  	s4 =	rddreg [dreg:$0x0];
	s0 =	stileid.u32;
	s1 =	sand.u32 $0x10, s1  }
0x4: {  	s7 =	simm.s32 $0x1;
	s8 =	simm.s32 $0x2;
	s1 =	sor.u32 s0, s1  }
0x5: {  	s11 =	simm.s32 $0x0;
	s10 =	simm.s32 $0x0;
	s2 =	sshll.u32 s1, $0x7  }
0x6: {  	s3 =	sadd.s32 $0xE00, s4;
	s4 =	sadd.s32 $0x800E00, s4;
	s6 =	ssub.s32 $0x80000, s2  }
.Ltmp0:
0x7: {  	s1 =	rddreg [dreg:$0x1];
	s5 =	sand.u32 $0xF80, s6;
	(pc) =	sbr.rel .LBB1_1-.Ltmp0, $4  }
0x8: {  	_ =	strace $0x80000047;
	s9 =	smov.u32 s2;
	p0 =	sne.s32 s5, $0x0  }
0x9: {  	s6 =	sshrl.u32 s6, $0xC;
	s5 =	simm.s32 $0x1;
	s7 =	simm.s32 @!p0 $0x0  }
0xa: {  	[sflag:s5] =	ssyncpa.u1 $0x0;
	p0 =	por $0x0, $0x0;
	s6 =	sadd.s32 s7, s6  }
0xb: {  	[sflag:s8] =	ssyncpa.u1 $0x0;
	s8 =	simm.s32 $0x400000;
	s7 =	sadd.s32 $0x1, s6  }
.LBB1_4:
0xc: {  	s13 =	sshll.u32 s11, $0x3  }
0xd: {  	s15 =	sand.u32 $0x78, s11;
	s13 =	sand.u32 $0x7FC00, s13  }
0xe: {  	s30 =	sand.u32 $0x1F0000, s11;
	s31 =	sand.u32 $0x7, s11;
	s13 =	sor.u32 s15, s13  }
0xf: {  	s11 =	sshll.u32 s31, $0x12;
	s15 =	sadd.s32 s4, s30;
	s13 =	sshrl.u32 s13, $0x3  }
0x10: {  	[tilespmem:s14+$0x0 ss:$0x81] =	vst.msk $0xffff, v0;
	s11 =	sor.u32 $0x400, s11;
	s13 =	sadd.s32 s13, s15  }
0x11: {  	[hbm4b:s13+s11] =	stream.strided.scatter [tilespmem:s12], [sflag:$0x2], $0x1000, s8, s11, $0x20;
	[tilespmem:$0x4040] =	vst v63  }
.LBB1_5:
0x12: {  	s13 =	sadd.s32 $0x1000, s9  }
0x13: {  	p2 =	sgt.s32 s13, $0x7FFFF  }
0x14: {  	s13 =	smov.u32 @p2 s2;
	p2 =	sne.s32 s10, s7  }
.Ltmp1:
0x15: {  	p1 =	slt.u32 s10, $0x2;
	(pc) =	sbr.rel @!p2 .LBB1_6-.Ltmp1, $4  }
0x16: {  	s12 =	simm.s32 @!p1 $0x2  }
0x17: {  	s14 =	sadd.s32 $0x1, s10;
	_ =	swait.ge @!p1 [sflag:s12], $0x1000  }
0x18: {  	s11 =	smov.u32 s9;
	p0 =	por !p0, !p0;
	[sflag:s12] =	ssyncset.done @!p1 $0x0  }
0x19: {  	s10 =	smov.u32 s14;
	s9 =	smov.u32 s13;
	[sflag:s12] =	ssyncadd.s32 @!p1 $0xFFFFF000  }
.LBB1_1:
0x1a: {  	p1 =	sge.u32 s10, s6  }
0x1b: {  	s31 =	sadd.s32 $0xFFFFFFFF, s10;
	s12 =	sxor.u32 @!p1 $0xFFFFFFFF, s10;
	s13 =	sshll.u32 @!p1 s9, $0x4  }
0x1c: {  	s14 =	simm.s32 @!p1 $0x20;
	s12 =	sshll.u32 @!p1 s12, $0xC;
	s13 =	sand.u32 @!p1 $0x7FFFF0, s13  }
0x1d: {  	s15 =	simm.s32 @!p1 $0x80;
	s12 =	sand.u32 @!p1 $0x1000, s12;
	s13 =	sadd.s32 @!p1 s3, s13  }
0x1e: {  	[tilespmem:s12], [sflag:$0x1] =	stream.strided.gather @!p1 [hbm4b:s13+s14], $0x1000, s15, s14, $0x38;
	[tilespmem:$0x4040] =	vst v63  }
0x1f: {  	p1 =	sge.u32 s31, s6  }
.Ltmp2:
0x20: {  	_ = 	snop;
	(pc) =	sbr.rel @p1 .LBB1_5-.Ltmp2, $1  }
0x21: {  	_ =	sdelay $0x3  }
0x22: {  	s12 =	simm.s32 $0x1  }
0x23: {  	_ =	swait.ge [sflag:s5], $0x1000;
	s12 =	simm.s32 @!p0 $0x0  }
0x24: {  	[sflag:s5] =	ssyncset.done $0x0;
	s13 =	sshll.u32 s12, $0xC  }
0x25: {  	[sflag:s5] =	ssyncadd.s32 $0xFFFFF000;
	s16 =	sor.u32 $0x10, s13  }
0x26: {  	s12 =	smul.u32 $0x4080, s12;
	v1 =	vld [tilespmem:s16+$0x0]  }
0x27: {  	s30 =	sand.u32 $0x1, s10;
	v0 =	vld [tilespmem:s16+$0xFFFFFFF0]  }
0x28: {  	s14 =	smul.u32 $0x4080, s30;
	s12 =	sshrl.u32 s12, $0x2  }
0x29: {  	s13 =	sor.u32 $0x2000, s12  }
0x2a: {  	s31 =	sshrl.u32 s14, $0x2;
	s14 =	sadd.s32 $0x0, s13  }
0x2b: {  	s15 =	simm.s32 $0x4;
	s16 =	sadd.s32 $0x20, s16;
	s12 =	sor.u32 $0x2000, s31;
	[tilespmem:s14+$0x810 ss:$0x81] =	vst.msk $0xffff, v1  }
.LBB1_3:
0x2c: {  	v1 =	vld [tilespmem:s16+$0x0];
	p1 =	sne.s32 s15, $0x1FC;
	[tilespmem:s14+$0x0 ss:$0x81] =	vst.msk $0xffff, v0;
	s14 =	smov.u32 s15;
	s15 =	sadd.s32 $0x4, s15  }
.Ltmp3:
0x2d: {  	v0 =	vld [tilespmem:s16+$0xFFFFFFF0];
	(pc) =	sbr.rel @p1 .LBB1_3-.Ltmp3, $4  }
0x2e: {  	_ = 	snop  }
0x2f: {  	s14 =	sshra.s32 s14, $0x2  }
0x30: {  	s14 =	sadd.s32 s14, s13  }
0x31: {  	s16 =	sadd.s32 $0x20, s16;
	[tilespmem:s14+$0x810 ss:$0x81] =	vst.msk $0xffff, v1  }
.Ltmp4:
0x32: {  	_ = 	snop;
	(pc) =	sbr.rel .LBB1_4-.Ltmp4, $1  }
0x33: {  	_ =	sdelay $0x3  }
.LBB1_6:
0x34: {  	_ =	sfence.sel $0x180000  }
0x35: {  	s2 =	simm.s32 $0x1;
	[bflag:$0x0] =	sbarrier.arrive $0xFFFF  }
0x36: {  	s31 =	simm.s32 $0x2;
	[sflag:s2] =	ssyncpa.u1 $0x1  }
0x37: {  	[sflag:s31] =	ssyncpa.u1 $0x1  }
0x38: {  	p0 =	sne.s32 s0, $0x0;
	_ =	strace $0x90000047  }
0x39: {  	s0 =	sadd.s32 @!p0 $0x100000, s1;
	[bflag:$0x2] =	sbarrier.arrive $0xFFFF  }
0x3a: {  	[sflag:s0] =	ssyncadd.tile.s32 @!p0 $0x1;
	_ =	shalt  }
.Lfunc_end1:
_tile_overlayer_lowered:
.L_overlay_start_2:
0x3b: {  	(tag) =	ssettag $0x2  }
0x3c: {  	s0 =	rddreg [dreg:$0x0];
	s2 =	stileid.u32  }
0x3d: {  	s1 =	rddreg [dreg:$0x1];
	p0 =	sne.s32 s2, $0x0  }
0x3e: {  	s3 =	rddreg [dreg:$0x2];
	[bflag:$0x3] =	sbarrier.arrive $0xFFFF;
	s2 =	simm.s32 @!p0 $0x1C01  }
0x3f: {  	[timem:s3], [sflag:s2] =	dma.local @!p0 [hbm:s0], s1  }
0x40: {  	s0 =	simm.s32 @!p0 $0x1  }
0x41: {  	_ =	swait.ge @!p0 [sflag:s0], s1  }
0x42: {  	s1 =	ssub.s32 @!p0 $0x0, s1;
	[sflag:s0] =	ssyncset.done @!p0 $0x0  }
0x43: {  	[sflag:s0] =	ssyncadd.s32 @!p0 s1  }
0x44: {  	[bflag:$0x3] =	sbarrier.arrive $0xFFFF  }
0x45: {  	_ =	shalt  }

// kernel: sparse-core-data-format-call.cloned.1.call-start
scs
called_computation_lowered:
.L_overlay_start_0:
0x0: {  	s2 =	sld [smem:$0x3FD9]  }
0x1: {  	s3 =	sld [smem:$0x3FFE];
	_ =	sdelay $0x1  }
0x2: {  	s1 =	srdreg.scid  }
0x3: {  	s0 =	sand.u32 $0x1, s1  }
0x4: {  	s18 =	sshll.u32 s0, $0xA;
	s2 =	sadd.s32 s3, s2  }
0x5: {  	s2 =	sadd.s32 s2, s18  }
0x6: {  	[smem:$0x3FC7] =	sst s2  }
0x7: {  	_ = 	snop  }
0x8: {  	s2 =	sld [smem:$0x3FD0];
	(tm) =	ssettm $0x1  }
0x9: {  	s19 =	sld [smem:$0x3FFB];
	_ =	sdelay $0x3  }
0xa: {  	_ =	strace s19  }
0xb: {  	s3 =	sld [smem:$0x3FFC];
	_ =	sdelay $0x3  }
0xc: {  	_ =	strace s3  }
0xd: {  	s3 =	sld [smem:$0x3FFD];
	_ =	sdelay $0x3  }
0xe: {  	_ =	strace s3  }
0xf: {  	_ =	strace $0x8FFFFFFF  }
0x10: {  	s20 =	sld [smem:$0x3FDB];
	_ =	sdelay $0x1  }
0x11: {  	s4 =	simm.s32 $_scs_section_size  }
0x12: {  	s5 =	simm.s32 $_size__tile_overlayer_lowered;
	s6 =	simm.s32 $_tile_overlayer_lowered  }
0x13: {  	s23 =	simm.s32 $0x1BFF;
	s22 =	sshll.u32 s6, $0x1;
	s3 =	sadd.s32 s4, s20  }
0x14: {  	s7 =	simm.s32 $0x0;
	s21 =	sshll.u32 s5, $0x1;
	s5 =	sadd.s32 s22, s3  }
0x15: {  	[timem:s7], [sflag:s23] =	dma.local [hbm:s5], s21  }
0x16: {  	_ =	swait.ge [sflag:s23], s21  }
0x17: {  	s4 =	ssub.s32 $0x0, s21;
	[sflag:s23] =	ssyncset.done $0x0  }
0x18: {  	[sflag:s23] =	ssyncadd.s32 s4;
	_ =	sdelay $0x1  }
0x19: {  	s24 =	simm.s32 $0x1B8B  }
0x1a: {  	_ =	swait.ge [sflag:s24], $0x1  }
0x1b: {  	[sflag:s24] =	ssyncset.done $0x0  }
0x1c: {  	s26 =	simm.s32 $0x1B8E;
	s25 =	sld [smem:$0x3FFE];
	[sflag:s24] =	ssyncadd.s32 $0xFFFFFFFF  }
0x1d: {  	s27 =	simm.s32 $execute0_lowered;
	[smem:$0x3FD2] =	sst s26  }
0x1e: {  	s5 =	sshll.u32 s27, $0x1;
	_ =	strace $0x80000049;
	[dreg:$0x1] =	wrdreg $0xFFFFFFFF  }
0x1f: {  	s28 =	simm.s32 $_size_execute0_lowered;
	s3 =	sadd.s32 s3, s5;
	[dreg:$0x0] =	wrdreg $0x0  }
0x20: {  	s5 =	sshll.u32 s28, $0x1;
	[dreg:$0x2] =	wrdreg s3  }
0x21: {  	[dreg:$0x3] =	wrdreg s5  }
0x22: {  	[dreg:$0x4] =	wrdreg $0xC0  }
0x23: {  	_ =	task [dreg:s7], $0x5FFFF  }
0x24: {  	[dreg:$0x1] =	wrdreg $0xFFFFFFFF  }
0x25: {  	[dreg:$0x0] =	wrdreg $0x60  }
0x26: {  	[dreg:$0x2] =	wrdreg s2  }
0x27: {  	[dreg:$0x3] =	wrdreg s25  }
0x28: {  	[dreg:$0x4] =	wrdreg $0x9  }
0x29: {  	_ =	task.clear_ibuf [dreg:s7], $0x5FFFF;
	_ =	strace $0x90000049  }
0x2a: {  	s29 =	simm.s32 $0x9;
	_ =	strace $0x8000004B  }
0x2b: {  	_ =	swait.ge [sflag:s29], $0x1  }
0x2c: {  	[sflag:s29] =	ssyncadd.s32 $0xFFFFFFFF  }
0x2d: {  	_ =	strace $0x9000004B  }
0x2e: {  	_ =	sfence  }
0x2f: {  	s30 =	sld [smem:$0x0];
	_ =	sdelay $0x2  }
0x30: {  	s31 =	sshll.u32 s1, $0xD;
	s1 =	sshrl.u32 s1, $0x2  }
0x31: {  	s3 =	sand.u32 $0x4000, s31;
	s1 =	sadd.s32 s1, s30  }
0x32: {  	s0 =	sor.u32 s3, s0;
	s1 =	sshll.u32 s1, $0x11  }
0x33: {  	s0 =	sor.u32 s1, s0  }
0x34: {  	s0 =	sadd.s32 $0x8F2B, s0  }
0x35: {  	[sflag:s0] =	ssyncadd.remote.s32 $0x1  }
0x36: {  	_ =	sfence.sel $0xFFFF  }
0x37: {  	[dreg:$0x0] =	wrdreg $0xFFFFFFFF;
	(pc) =	sbr.abs _section_cstart, $3  }
0x38: {  	[dreg:$0x1] =	wrdreg $0xFFFFFFFF  }
0x39: {  	_ =	task.clear_ibuf [dreg:s7], $0x2FFFF;
	_ =	strace $0x9FFFFFFF  }
0x3a: {  	(tm) =	ssettm $0x7FFFFFFF  }
0x3b: {  	_ =	shalt  }
tec
execute0_lowered:
.L_overlay_start_1:
0x0: {  	(tag) =	ssettag $0x1  }
0x1: {  	s0 =	srdreg.scid;
	s2 =	rddreg [dreg:$0x0]  }
0x2: {  	s6 =	rddreg [dreg:$0x1];
	s1 =	sshll.u32 s0, $0x4  }
0x3: {  	s7 =	simm.s32 $0x1;
	s0 =	stileid.u32;
	s1 =	sand.u32 $0x10, s1  }
0x4: {  	s8 =	simm.s32 $0x2;
	s13 =	simm.s32 $0x0;
	s1 =	sor.u32 s0, s1  }
0x5: {  	s12 =	simm.s32 $0x0;
	s10 =	simm.s32 $0x0;
	s3 =	sshll.u32 s1, $0x9  }
0x6: {  	s11 =	simm.s32 $0x0;
	s6 =	sadd.s32 $0xE00, s6;
	s5 =	ssub.s32 $0x80000, s3  }
.Ltmp0:
0x7: {  	s1 =	rddreg [dreg:$0x2];
	s4 =	sand.u32 $0x3E00, s5;
	(pc) =	sbr.rel .LBB1_1-.Ltmp0, $4  }
0x8: {  	_ =	strace $0x8000004A;
	s9 =	smov.u32 s3;
	p0 =	sne.s32 s4, $0x0  }
0x9: {  	s5 =	sshrl.u32 s5, $0xE;
	s4 =	simm.s32 $0x1;
	s7 =	simm.s32 @!p0 $0x0  }
0xa: {  	[sflag:s4] =	ssyncpa.u1 $0x0;
	p0 =	por $0x0, $0x0;
	s5 =	sadd.s32 s7, s5  }
0xb: {  	[sflag:s8] =	ssyncpa.u1 $0x0;
	s8 =	simm.s32 $0x80;
	s7 =	sadd.s32 $0x1, s5  }
.LBB1_4:
0xc: {  	_ = 	snop  }
0xd: {  	[tilespmem:s18+$0x2D60 ss:$0x21] =	vst.msk $0xffff, v7  }
0xe: {  	[tilespmem:s18+$0x2F70 ss:$0x21] =	vst.msk $0xffff, v6  }
0xf: {  	[tilespmem:s18+$0x3390 ss:$0x21] =	vst.msk $0xffff, v3  }
0x10: {  	s21 =	sor.u32 s24, s23;
	v31 =	vld.idx.msk [tilespmem:v0+s16+$0xC70 ss:$0x1], $0xffff;
	[tilespmem:s18+$0x35A0 ss:$0x21] =	vst.msk $0xffff, v1  }
0x11: {  	[tilespmem:s18+$0x37B0 ss:$0x21] =	vst.msk $0xffff, v2;
	v43 =	vld.idx.msk [tilespmem:v0+s21+$0x410 ss:$0x1], $0xffff  }
0x12: {  	[tilespmem:s18+$0x39C0 ss:$0x21] =	vst.msk $0xffff, v4;
	v44 =	vld.idx.msk [tilespmem:v0+s21+$0x420 ss:$0x1], $0xffff  }
0x13: {  	[tilespmem:s18+$0x3BD0 ss:$0x21] =	vst.msk $0xffff, v5;
	s22 =	sand.u32 $0x3200, s21;
	v45 =	vld.idx.msk [tilespmem:v0+s21+$0x430 ss:$0x1], $0xffff  }
0x14: {  	s20 =	sand.u32 $0x180, s20;
	s27 =	sshra.s32 s19, $0x2;
	[tilespmem:s18+$0x3DE0 ss:$0x21] =	vst.msk $0xffff, v8;
	v46 =	vld.idx.msk [tilespmem:v0+s21+$0x440 ss:$0x1], $0xffff;
	s15 =	sadd.s32 s22, s15  }
0x15: {  	v47 =	vld.idx.msk [tilespmem:v0+s21+$0x450 ss:$0x1], $0xffff;
	s26 =	sadd.s32 s20, s15;
	s15 =	sadd.s32 s27, s17;
	[tilespmem:s18+$0x3FF0 ss:$0x21] =	vst.msk $0xffff, v31  }
0x16: {  	v48 =	vld.idx.msk [tilespmem:v0+s21+$0x460 ss:$0x1], $0xffff;
	[tilespmem:s15+$0x1290 ss:$0x21] =	vst.msk $0xffff, v43  }
0x17: {  	v49 =	vld.idx.msk [tilespmem:v0+s21+$0x470 ss:$0x1], $0xffff;
	[tilespmem:s15+$0x14A0 ss:$0x21] =	vst.msk $0xffff, v44  }
0x18: {  	v50 =	vld.idx.msk [tilespmem:v0+s21+$0x810 ss:$0x1], $0xffff;
	[tilespmem:s15+$0x16B0 ss:$0x21] =	vst.msk $0xffff, v45  }
0x19: {  	v51 =	vld.idx.msk [tilespmem:v0+s21+$0x820 ss:$0x1], $0xffff;
	[tilespmem:s15+$0x18C0 ss:$0x21] =	vst.msk $0xffff, v46  }
0x1a: {  	v52 =	vld.idx.msk [tilespmem:v0+s21+$0x830 ss:$0x1], $0xffff;
	[tilespmem:s15+$0x1AD0 ss:$0x21] =	vst.msk $0xffff, v47  }
0x1b: {  	v53 =	vld.idx.msk [tilespmem:v0+s21+$0x840 ss:$0x1], $0xffff;
	[tilespmem:s15+$0x1CE0 ss:$0x21] =	vst.msk $0xffff, v48  }
0x1c: {  	v54 =	vld.idx.msk [tilespmem:v0+s21+$0x850 ss:$0x1], $0xffff;
	[tilespmem:s15+$0x1EF0 ss:$0x21] =	vst.msk $0xffff, v49  }
0x1d: {  	v55 =	vld.idx.msk [tilespmem:v0+s21+$0x860 ss:$0x1], $0xffff;
	[tilespmem:s15+$0x2310 ss:$0x21] =	vst.msk $0xffff, v50  }
0x1e: {  	v56 =	vld.idx.msk [tilespmem:v0+s21+$0x870 ss:$0x1], $0xffff;
	[tilespmem:s15+$0x2520 ss:$0x21] =	vst.msk $0xffff, v51  }
0x1f: {  	v57 =	vld.idx.msk [tilespmem:v0+s21+$0xC10 ss:$0x1], $0xffff;
	[tilespmem:s15+$0x2730 ss:$0x21] =	vst.msk $0xffff, v52  }
0x20: {  	v58 =	vld.idx.msk [tilespmem:v0+s21+$0xC20 ss:$0x1], $0xffff;
	[tilespmem:s15+$0x2940 ss:$0x21] =	vst.msk $0xffff, v53  }
0x21: {  	v59 =	vld.idx.msk [tilespmem:v0+s21+$0xC30 ss:$0x1], $0xffff;
	[tilespmem:s15+$0x2B50 ss:$0x21] =	vst.msk $0xffff, v54  }
0x22: {  	v60 =	vld.idx.msk [tilespmem:v0+s21+$0xC40 ss:$0x1], $0xffff;
	[tilespmem:s15+$0x2D60 ss:$0x21] =	vst.msk $0xffff, v55  }
0x23: {  	v61 =	vld.idx.msk [tilespmem:v0+s21+$0xC50 ss:$0x1], $0xffff;
	[tilespmem:s15+$0x2F70 ss:$0x21] =	vst.msk $0xffff, v56  }
0x24: {  	v62 =	vld.idx.msk [tilespmem:v0+s21+$0xC60 ss:$0x1], $0xffff;
	[tilespmem:s15+$0x3390 ss:$0x21] =	vst.msk $0xffff, v57  }
0x25: {  	v63 =	vld.idx.msk [tilespmem:v0+s21+$0xC70 ss:$0x1], $0xffff;
	[tilespmem:s15+$0x35A0 ss:$0x21] =	vst.msk $0xffff, v58  }
0x26: {  	v32 =	vld [tilespmem:s26+$0xC00];
	[tilespmem:s15+$0x37B0 ss:$0x21] =	vst.msk $0xffff, v59  }
0x27: {  	v33 =	vld [tilespmem:s26+$0x0];
	[tilespmem:s15+$0x39C0 ss:$0x21] =	vst.msk $0xffff, v60  }
0x28: {  	v34 =	vld [tilespmem:s26+$0x10];
	[tilespmem:s15+$0x3BD0 ss:$0x21] =	vst.msk $0xffff, v61  }
0x29: {  	v35 =	vld [tilespmem:s26+$0x20];
	[tilespmem:s15+$0x3DE0 ss:$0x21] =	vst.msk $0xffff, v62  }
0x2a: {  	v36 =	vld [tilespmem:s26+$0x30];
	[tilespmem:s15+$0x3FF0 ss:$0x21] =	vst.msk $0xffff, v63  }
0x2b: {  	v37 =	vld [tilespmem:s26+$0x40];
	[tilespmem:s15+$0x3180 ss:$0x21] =	vst.msk $0xffff, v32  }
0x2c: {  	v38 =	vld [tilespmem:s26+$0x50];
	[tilespmem:s15+$0x0 ss:$0x21] =	vst.msk $0xffff, v33  }
0x2d: {  	v39 =	vld [tilespmem:s26+$0x60];
	[tilespmem:s15+$0x210 ss:$0x21] =	vst.msk $0xffff, v34  }
0x2e: {  	v40 =	vld [tilespmem:s26+$0x70];
	[tilespmem:s15+$0x420 ss:$0x21] =	vst.msk $0xffff, v35  }
0x2f: {  	s13 =	sshll.u32 s13, $0x7;
	s28 =	sshll.u32 s12, $0x3;
	v41 =	vld [tilespmem:s26+$0x400];
	[tilespmem:s15+$0x630 ss:$0x21] =	vst.msk $0xffff, v36  }
0x30: {  	s29 =	sand.u32 $0x3FFFC00, s13;
	s16 =	sand.u32 $0x3FFFC00, s28;
	v42 =	vld [tilespmem:s26+$0x800];
	[tilespmem:s15+$0x840 ss:$0x21] =	vst.msk $0xffff, v37  }
0x31: {  	s13 =	sand.u32 $0x380, s13;
	s16 =	sadd.s32 s16, s29;
	[tilespmem:s15+$0xA50 ss:$0x21] =	vst.msk $0xffff, v38  }
0x32: {  	s30 =	sshrl.u32 s12, $0x3;
	s13 =	sor.u32 s13, s16;
	[tilespmem:s15+$0xC60 ss:$0x21] =	vst.msk $0xffff, v39  }
0x33: {  	s31 =	sand.u32 $0x7, s12;
	s16 =	sand.u32 $0xF, s30;
	s13 =	sshrl.u32 s13, $0x3;
	[tilespmem:s15+$0xE70 ss:$0x21] =	vst.msk $0xffff, v40  }
0x34: {  	s12 =	sshll.u32 s31, $0x12;
	s16 =	sadd.s32 s6, s16;
	s13 =	sand.u32 $0x7FFFF0, s13;
	[tilespmem:s15+$0x1080 ss:$0x21] =	vst.msk $0xffff, v41  }
0x35: {  	s12 =	sor.u32 $0x20, s12;
	s13 =	sadd.s32 s13, s16;
	[tilespmem:s15+$0x2100 ss:$0x21] =	vst.msk $0xffff, v42  }
0x36: {  	[hbm4b:s13+s12] =	stream.strided.scatter [tilespmem:s14], [sflag:$0x2], $0x4000, s8, s12, $0x10;
	[tilespmem:$0x10400] =	vst v63  }
.LBB1_5:
0x37: {  	s14 =	sadd.s32 $0x4000, s9  }
0x38: {  	s12 =	sadd.s32 $0x20, s10;
	s16 =	smov.u32 s10;
	p2 =	sgt.s32 s14, $0x7FFFF  }
0x39: {  	s16 =	smov.u32 @p2 s12  }
0x3a: {  	s14 =	smov.u32 @p2 s3;
	p2 =	sgt.s32 s16, $0x1F  }
0x3b: {  	s16 =	simm.s32 @p2 $0x0;
	p2 =	sne.s32 s11, s7  }
.Ltmp1:
0x3c: {  	p1 =	slt.u32 s11, $0x2;
	(pc) =	sbr.rel @!p2 .LBB1_6-.Ltmp1, $4  }
0x3d: {  	s15 =	simm.s32 @!p1 $0x2  }
0x3e: {  	s13 =	smov.u32 s9;
	p0 =	por !p0, !p0;
	_ =	swait.ge @!p1 [sflag:s15], $0x4000  }
0x3f: {  	s12 =	smov.u32 s10;
	[sflag:s15] =	ssyncset.done @!p1 $0x0;
	s9 =	smov.u32 s14  }
0x40: {  	s11 =	sadd.s32 $0x1, s11;
	[sflag:s15] =	ssyncadd.s32 @!p1 $0xFFFFC000;
	s10 =	smov.u32 s16  }
.LBB1_1:
0x41: {  	p1 =	sge.u32 s11, s5;
	s31 =	sadd.s32 $0xFFFFFFFF, s11  }
0x42: {  	s14 =	sand.u32 @!p1 $0x78, s9;
	s15 =	sshll.u32 @!p1 s10, $0x13;
	s16 =	sshll.u32 @!p1 s10, $0x7  }
0x43: {  	s17 =	sshll.u32 @!p1 s9, $0x3;
	s15 =	sand.u32 @!p1 $0xC00000, s15;
	s16 =	sand.u32 @!p1 $0x380, s16  }
0x44: {  	s15 =	sadd.s32 @!p1 s15, s17;
	s17 =	sand.u32 @!p1 $0x7FC00, s17;
	s14 =	sor.u32 @!p1 s16, s14  }
0x45: {  	s16 =	sxor.u32 @!p1 $0xFFFFFFFF, s11;
	s15 =	sand.u32 @!p1 $0xF80000, s15;
	s14 =	sor.u32 @!p1 s17, s14  }
0x46: {  	s16 =	sshll.u32 @!p1 s16, $0xE;
	s14 =	sor.u32 @!p1 s15, s14;
	s15 =	sand.u32 @!p1 $0x7, s9  }
0x47: {  	s17 =	simm.s32 @!p1 $0x400000;
	s14 =	sshrl.u32 @!p1 s14, $0x3;
	s15 =	sshll.u32 @!p1 s15, $0x12  }
0x48: {  	s16 =	sand.u32 @!p1 $0x4000, s16;
	s14 =	sadd.s32 @!p1 s2, s14;
	s15 =	sor.u32 @!p1 $0x1000, s15  }
0x49: {  	[tilespmem:s16], [sflag:$0x1] =	stream.strided.gather @!p1 [hbm4b:s14+s15], $0x4000, s17, s15, $0x38;
	[tilespmem:$0x10400] =	vst v63  }
0x4a: {  	p1 =	sge.u32 s31, s5  }
.Ltmp2:
0x4b: {  	_ = 	snop;
	(pc) =	sbr.rel @p1 .LBB1_5-.Ltmp2, $1  }
0x4c: {  	_ =	sdelay $0x3  }
0x4d: {  	s17 =	simm.s32 $0x0  }
0x4e: {  	s16 =	sand.u32 $0x3000, s17;
	s18 =	sand.u32 $0x380, s17  }
0x4f: {  	s14 =	sand.u32 $0x1, s11;
	s16 =	sor.u32 s18, s16  }
0x50: {  	_ =	swait.ge [sflag:s4], $0x4000;
	s15 =	sshll.u32 s14, $0xE;
	s18 =	sand.u32 $0x3200, s16  }
0x51: {  	[sflag:s4] =	ssyncset.done $0x0;
	s17 =	sand.u32 $0x180, s17;
	s18 =	sadd.s32 s18, s15  }
0x52: {  	[sflag:s4] =	ssyncadd.s32 $0xFFFFC000;
	s20 =	sadd.s32 s17, s18  }
0x53: {  	v4 =	vld [tilespmem:s20+$0xC00]  }
0x54: {  	s19 =	simm.s32 $0x1;
	v0 =	vmov s15;
	v5 =	vld [tilespmem:s20+$0x0]  }
0x55: {  	s19 =	simm.s32 @!p0 $0x0;
	v6 =	vld [tilespmem:s20+$0x10]  }
0x56: {  	s31 =	smul.u32 $0x10800, s19;
	v7 =	vld [tilespmem:s20+$0x20]  }
0x57: {  	v8 =	vld [tilespmem:s20+$0x30]  }
0x58: {  	s17 =	sshrl.u32 s31, $0x2;
	v9 =	vld [tilespmem:s20+$0x40]  }
0x59: {  	s17 =	sor.u32 $0x8000, s17;
	v1 =	vld.idx.msk [tilespmem:v0+s16+$0x410 ss:$0x1], $0xffff  }
0x5a: {  	v2 =	vld.idx.msk [tilespmem:v0+s16+$0x420 ss:$0x1], $0xffff;
	s18 =	sadd.s32 $0x0, s17  }
0x5b: {  	v3 =	vld.idx.msk [tilespmem:v0+s16+$0x430 ss:$0x1], $0xffff;
	[tilespmem:s18+$0x3180 ss:$0x21] =	vst.msk $0xffff, v4  }
0x5c: {  	v10 =	vld.idx.msk [tilespmem:v0+s16+$0x820 ss:$0x1], $0xffff;
	[tilespmem:s18+$0x0 ss:$0x21] =	vst.msk $0xffff, v5  }
0x5d: {  	v11 =	vld.idx.msk [tilespmem:v0+s16+$0x830 ss:$0x1], $0xffff;
	[tilespmem:s18+$0x210 ss:$0x21] =	vst.msk $0xffff, v6  }
0x5e: {  	v12 =	vld.idx.msk [tilespmem:v0+s16+$0x840 ss:$0x1], $0xffff;
	[tilespmem:s18+$0x420 ss:$0x21] =	vst.msk $0xffff, v7  }
0x5f: {  	v13 =	vld.idx.msk [tilespmem:v0+s16+$0x850 ss:$0x1], $0xffff;
	[tilespmem:s18+$0x630 ss:$0x21] =	vst.msk $0xffff, v8  }
0x60: {  	v4 =	vld [tilespmem:s20+$0x50];
	[tilespmem:s18+$0x840 ss:$0x21] =	vst.msk $0xffff, v9  }
0x61: {  	v5 =	vld [tilespmem:s20+$0x60];
	[tilespmem:s18+$0x1290 ss:$0x21] =	vst.msk $0xffff, v1  }
0x62: {  	v6 =	vld [tilespmem:s20+$0x70];
	[tilespmem:s18+$0x14A0 ss:$0x21] =	vst.msk $0xffff, v2  }
0x63: {  	v7 =	vld [tilespmem:s20+$0x400];
	[tilespmem:s18+$0x16B0 ss:$0x21] =	vst.msk $0xffff, v3  }
0x64: {  	v8 =	vld [tilespmem:s20+$0x800];
	[tilespmem:s18+$0x2520 ss:$0x21] =	vst.msk $0xffff, v10  }
0x65: {  	v9 =	vld.idx.msk [tilespmem:v0+s16+$0x470 ss:$0x1], $0xffff;
	[tilespmem:s18+$0x2730 ss:$0x21] =	vst.msk $0xffff, v11  }
0x66: {  	v3 =	vld.idx.msk [tilespmem:v0+s16+$0xC10 ss:$0x1], $0xffff;
	[tilespmem:s18+$0x2940 ss:$0x21] =	vst.msk $0xffff, v12  }
0x67: {  	v1 =	vld.idx.msk [tilespmem:v0+s16+$0xC20 ss:$0x1], $0xffff;
	[tilespmem:s18+$0x2B50 ss:$0x21] =	vst.msk $0xffff, v13  }
0x68: {  	v2 =	vld.idx.msk [tilespmem:v0+s16+$0xC30 ss:$0x1], $0xffff;
	[tilespmem:s18+$0xA50 ss:$0x21] =	vst.msk $0xffff, v4  }
0x69: {  	[tilespmem:s18+$0xE70 ss:$0x21] =	vst.msk $0xffff, v6;
	v6 =	vld.idx.msk [tilespmem:v0+s16+$0x460 ss:$0x1], $0xffff  }
0x6a: {  	v4 =	vld.idx.msk [tilespmem:v0+s16+$0x440 ss:$0x1], $0xffff;
	[tilespmem:s18+$0xC60 ss:$0x21] =	vst.msk $0xffff, v5  }
0x6b: {  	v5 =	vld.idx.msk [tilespmem:v0+s16+$0x450 ss:$0x1], $0xffff;
	[tilespmem:s18+$0x1080 ss:$0x21] =	vst.msk $0xffff, v7  }
0x6c: {  	[tilespmem:s18+$0x2100 ss:$0x21] =	vst.msk $0xffff, v8;
	v8 =	vld.idx.msk [tilespmem:v0+s16+$0x810 ss:$0x1], $0xffff  }
0x6d: {  	v7 =	vld.idx.msk [tilespmem:v0+s16+$0x860 ss:$0x1], $0xffff;
	[tilespmem:s18+$0x1EF0 ss:$0x21] =	vst.msk $0xffff, v9  }
0x6e: {  	s14 =	smul.u32 $0x10800, s14;
	[tilespmem:s18+$0x1CE0 ss:$0x21] =	vst.msk $0xffff, v6;
	v6 =	vld.idx.msk [tilespmem:v0+s16+$0x870 ss:$0x1], $0xffff  }
0x6f: {  	s21 =	simm.s32 $0x200;
	s22 =	simm.s32 $0x8;
	[tilespmem:s18+$0x18C0 ss:$0x21] =	vst.msk $0xffff, v4;
	v4 =	vld.idx.msk [tilespmem:v0+s16+$0xC40 ss:$0x1], $0xffff  }
0x70: {  	s23 =	sand.u32 $0x3000, s21;
	s14 =	sshrl.u32 s14, $0x2;
	s20 =	simm.s32 $0x80;
	[tilespmem:s18+$0x1AD0 ss:$0x21] =	vst.msk $0xffff, v5;
	v5 =	vld.idx.msk [tilespmem:v0+s16+$0xC50 ss:$0x1], $0xffff  }
0x71: {  	s19 =	simm.s32 $0x4;
	s14 =	sor.u32 $0x8000, s14;
	s24 =	sand.u32 $0x380, s20;
	[tilespmem:s18+$0x2310 ss:$0x21] =	vst.msk $0xffff, v8;
	v8 =	vld.idx.msk [tilespmem:v0+s16+$0xC60 ss:$0x1], $0xffff  }
.LBB1_3:
0x72: {  	p1 =	sne.s32 s22, $0x7C;
	[tilespmem:s18+$0x2D60 ss:$0x21] =	vst.msk $0xffff, v7;
	v7 =	vld.idx.msk [tilespmem:v0+s16+$0xC70 ss:$0x1], $0xffff;
	s16 =	sor.u32 s24, s23  }
0x73: {  	s23 =	sand.u32 $0x3200, s16;
	v9 =	vld.idx.msk [tilespmem:v0+s16+$0x410 ss:$0x1], $0xffff;
	[tilespmem:s18+$0x2F70 ss:$0x21] =	vst.msk $0xffff, v6  }
0x74: {  	s24 =	sand.u32 $0x180, s20;
	s23 =	sadd.s32 s23, s15;
	v6 =	vld.idx.msk [tilespmem:v0+s16+$0x420 ss:$0x1], $0xffff;
	[tilespmem:s18+$0x3390 ss:$0x21] =	vst.msk $0xffff, v3  }
0x75: {  	s23 =	sadd.s32 s24, s23;
	v3 =	vld.idx.msk [tilespmem:v0+s16+$0x430 ss:$0x1], $0xffff;
	[tilespmem:s18+$0x35A0 ss:$0x21] =	vst.msk $0xffff, v1  }
0x76: {  	v1 =	vld [tilespmem:s23+$0xC00];
	[tilespmem:s18+$0x37B0 ss:$0x21] =	vst.msk $0xffff, v2  }
0x77: {  	v2 =	vld [tilespmem:s23+$0x0];
	[tilespmem:s18+$0x39C0 ss:$0x21] =	vst.msk $0xffff, v4  }
0x78: {  	v4 =	vld [tilespmem:s23+$0x10];
	[tilespmem:s18+$0x3BD0 ss:$0x21] =	vst.msk $0xffff, v5  }
0x79: {  	s24 =	sshra.s32 s19, $0x2;
	s19 =	smov.u32 s22;
	v5 =	vld [tilespmem:s23+$0x20];
	[tilespmem:s18+$0x3DE0 ss:$0x21] =	vst.msk $0xffff, v8  }
0x7a: {  	v8 =	vld [tilespmem:s23+$0x30];
	[tilespmem:s18+$0x3FF0 ss:$0x21] =	vst.msk $0xffff, v7;
	s18 =	sadd.s32 s24, s17  }
0x7b: {  	v7 =	vld [tilespmem:s23+$0x40];
	[tilespmem:s18+$0x3180 ss:$0x21] =	vst.msk $0xffff, v1  }
0x7c: {  	[tilespmem:s18+$0x0 ss:$0x21] =	vst.msk $0xffff, v2;
	v1 =	vld [tilespmem:s23+$0x50]  }
0x7d: {  	[tilespmem:s18+$0x210 ss:$0x21] =	vst.msk $0xffff, v4;
	v2 =	vld [tilespmem:s23+$0x60]  }
0x7e: {  	[tilespmem:s18+$0x420 ss:$0x21] =	vst.msk $0xffff, v5;
	v4 =	vld [tilespmem:s23+$0x70]  }
0x7f: {  	[tilespmem:s18+$0x630 ss:$0x21] =	vst.msk $0xffff, v8;
	v5 =	vld [tilespmem:s23+$0x400]  }
0x80: {  	[tilespmem:s18+$0x840 ss:$0x21] =	vst.msk $0xffff, v7;
	v7 =	vld [tilespmem:s23+$0x800]  }
0x81: {  	[tilespmem:s18+$0xA50 ss:$0x21] =	vst.msk $0xffff, v1;
	v1 =	vld.idx.msk [tilespmem:v0+s16+$0x440 ss:$0x1], $0xffff  }
0x82: {  	[tilespmem:s18+$0xC60 ss:$0x21] =	vst.msk $0xffff, v2;
	v2 =	vld.idx.msk [tilespmem:v0+s16+$0x450 ss:$0x1], $0xffff  }
0x83: {  	[tilespmem:s18+$0xE70 ss:$0x21] =	vst.msk $0xffff, v4;
	v4 =	vld.idx.msk [tilespmem:v0+s16+$0x460 ss:$0x1], $0xffff  }
0x84: {  	[tilespmem:s18+$0x1080 ss:$0x21] =	vst.msk $0xffff, v5;
	v5 =	vld.idx.msk [tilespmem:v0+s16+$0x470 ss:$0x1], $0xffff  }
0x85: {  	[tilespmem:s18+$0x2100 ss:$0x21] =	vst.msk $0xffff, v7;
	v8 =	vld.idx.msk [tilespmem:v0+s16+$0x810 ss:$0x1], $0xffff  }
0x86: {  	[tilespmem:s18+$0x1290 ss:$0x21] =	vst.msk $0xffff, v9;
	v9 =	vld.idx.msk [tilespmem:v0+s16+$0x820 ss:$0x1], $0xffff  }
0x87: {  	[tilespmem:s18+$0x14A0 ss:$0x21] =	vst.msk $0xffff, v6;
	v10 =	vld.idx.msk [tilespmem:v0+s16+$0x830 ss:$0x1], $0xffff  }
0x88: {  	[tilespmem:s18+$0x16B0 ss:$0x21] =	vst.msk $0xffff, v3;
	v11 =	vld.idx.msk [tilespmem:v0+s16+$0x840 ss:$0x1], $0xffff  }
0x89: {  	[tilespmem:s18+$0x18C0 ss:$0x21] =	vst.msk $0xffff, v1;
	v12 =	vld.idx.msk [tilespmem:v0+s16+$0x850 ss:$0x1], $0xffff  }
0x8a: {  	[tilespmem:s18+$0x1AD0 ss:$0x21] =	vst.msk $0xffff, v2;
	v7 =	vld.idx.msk [tilespmem:v0+s16+$0x860 ss:$0x1], $0xffff  }
0x8b: {  	[tilespmem:s18+$0x1CE0 ss:$0x21] =	vst.msk $0xffff, v4;
	v6 =	vld.idx.msk [tilespmem:v0+s16+$0x870 ss:$0x1], $0xffff  }
0x8c: {  	[tilespmem:s18+$0x1EF0 ss:$0x21] =	vst.msk $0xffff, v5;
	v3 =	vld.idx.msk [tilespmem:v0+s16+$0xC10 ss:$0x1], $0xffff  }
.Ltmp3:
0x8d: {  	[tilespmem:s18+$0x2310 ss:$0x21] =	vst.msk $0xffff, v8;
	v1 =	vld.idx.msk [tilespmem:v0+s16+$0xC20 ss:$0x1], $0xffff;
	(pc) =	sbr.rel @p1 .LBB1_3-.Ltmp3, $4  }
0x8e: {  	[tilespmem:s18+$0x2520 ss:$0x21] =	vst.msk $0xffff, v9;
	v2 =	vld.idx.msk [tilespmem:v0+s16+$0xC30 ss:$0x1], $0xffff  }
0x8f: {  	[tilespmem:s18+$0x2730 ss:$0x21] =	vst.msk $0xffff, v10;
	v4 =	vld.idx.msk [tilespmem:v0+s16+$0xC40 ss:$0x1], $0xffff  }
0x90: {  	s20 =	sadd.s32 $0x80, s20;
	s21 =	sadd.s32 $0x200, s21;
	[tilespmem:s18+$0x2940 ss:$0x21] =	vst.msk $0xffff, v11;
	v5 =	vld.idx.msk [tilespmem:v0+s16+$0xC50 ss:$0x1], $0xffff  }
0x91: {  	s22 =	sadd.s32 $0x4, s22;
	s24 =	sand.u32 $0x380, s20;
	s23 =	sand.u32 $0x3000, s21;
	[tilespmem:s18+$0x2B50 ss:$0x21] =	vst.msk $0xffff, v12;
	v8 =	vld.idx.msk [tilespmem:v0+s16+$0xC60 ss:$0x1], $0xffff  }
.Ltmp4:
0x92: {  	_ = 	snop;
	(pc) =	sbr.rel .LBB1_4-.Ltmp4, $1  }
0x93: {  	_ =	sdelay $0x3  }
.LBB1_6:
0x94: {  	_ =	sfence.sel $0x180000  }
0x95: {  	s2 =	simm.s32 $0x1;
	[bflag:$0x0] =	sbarrier.arrive $0xFFFF  }
0x96: {  	s31 =	simm.s32 $0x2;
	[sflag:s2] =	ssyncpa.u1 $0x1  }
0x97: {  	[sflag:s31] =	ssyncpa.u1 $0x1  }
0x98: {  	p0 =	sne.s32 s0, $0x0;
	_ =	strace $0x9000004A  }
0x99: {  	s0 =	sadd.s32 @!p0 $0x100000, s1;
	[bflag:$0x2] =	sbarrier.arrive $0xFFFF  }
0x9a: {  	[sflag:s0] =	ssyncadd.tile.s32 @!p0 $0x1;
	_ =	shalt  }
.Lfunc_end1:
_tile_overlayer_lowered:
.L_overlay_start_2:
0x9b: {  	(tag) =	ssettag $0x2  }
0x9c: {  	s0 =	rddreg [dreg:$0x0];
	s2 =	stileid.u32  }
0x9d: {  	s1 =	rddreg [dreg:$0x1];
	p0 =	sne.s32 s2, $0x0  }
0x9e: {  	s3 =	rddreg [dreg:$0x2];
	[bflag:$0x3] =	sbarrier.arrive $0xFFFF;
	s2 =	simm.s32 @!p0 $0x1C01  }
0x9f: {  	[timem:s3], [sflag:s2] =	dma.local @!p0 [hbm:s0], s1  }
0xa0: {  	s0 =	simm.s32 @!p0 $0x1  }
0xa1: {  	_ =	swait.ge @!p0 [sflag:s0], s1  }
0xa2: {  	s1 =	ssub.s32 @!p0 $0x0, s1;
	[sflag:s0] =	ssyncset.done @!p0 $0x0  }
0xa3: {  	[sflag:s0] =	ssyncadd.s32 @!p0 s1  }
0xa4: {  	[bflag:$0x3] =	sbarrier.arrive $0xFFFF  }
0xa5: {  	_ =	shalt  }

</sc_bundles>
